<compile_context>
chip_gen: v7x
topology: tpu7x:2x2x1
jax: 0.10.2.dev20260603
libtpu: 0.0.44.dev20260713+nightly
codegen_flags: <defaults>
</compile_context>

<pallas_src>
import functools

import jax
import jax.numpy as jnp
from jax import lax
from jax.experimental import pallas as pl
from jax.experimental.pallas import tpu as pltpu
from jax.experimental.pallas import tpu_sc as plsc

VOCAB = 1000000
DIM = 64
BATCH = 16384

_INFO = plsc.get_sparse_core_info()
NUM_CORES = _INFO.num_cores
NUM_SUBCORES = _INFO.num_subcores
LANES = _INFO.num_lanes
NUM_WORKERS = NUM_CORES * NUM_SUBCORES
BPW = BATCH // NUM_WORKERS


def _make_sc_dot():
    mesh = plsc.VectorSubcoreMesh(core_axis_name="c", subcore_axis_name="s")

    @functools.partial(
        pl.kernel,
        mesh=mesh,
        compiler_params=pltpu.CompilerParams(use_tc_tiling_on_sc=False),
        out_type=jax.ShapeDtypeStruct((BATCH, LANES), jnp.float32),
        scratch_types=[
            pltpu.VMEM((BPW,), jnp.int32),
            pltpu.VMEM((BPW,), jnp.int32),
            pltpu.VMEM((BPW, DIM), jnp.float32),
            pltpu.VMEM((BPW, DIM), jnp.float32),
            pltpu.VMEM((BPW, LANES), jnp.float32),
            pltpu.SemaphoreType.DMA,
            pltpu.SemaphoreType.DMA,
        ],
    )
    def sc_dot(cw_hbm, xw_hbm, win_hbm, wout_hbm, out_hbm,
               idx_c, idx_x, rows_in, rows_out, part_v, sem_in, sem_out):
        wid = lax.axis_index("s") * NUM_CORES + lax.axis_index("c")
        base = wid * BPW
        pltpu.sync_copy(cw_hbm.at[pl.ds(base, BPW)], idx_c)
        pltpu.sync_copy(xw_hbm.at[pl.ds(base, BPW)], idx_x)
        cp_in = pltpu.async_copy(win_hbm.at[idx_c], rows_in, sem_in)
        cp_out = pltpu.async_copy(wout_hbm.at[idx_x], rows_out, sem_out)
        cp_in.wait()
        cp_out.wait()

        def row_body(r, _):
            acc = jnp.zeros((LANES,), jnp.float32)
            for c in range(DIM // LANES):
                a = rows_in[r, pl.ds(c * LANES, LANES)]
                b = rows_out[r, pl.ds(c * LANES, LANES)]
                acc = acc + a * b
            part_v[r] = acc
            return 0

        lax.fori_loop(0, BPW, row_body, 0)
        pltpu.sync_copy(part_v, out_hbm.at[pl.ds(base, BPW)])

    return sc_dot


_sc_dot = _make_sc_dot()


def _bce_body(part_ref, labels_ref, out_ref):
    part = part_ref[...]
    y = labels_ref[...]
    gi = lax.broadcasted_iota(jnp.int32, (128, 8), 0) // LANES
    gj = lax.broadcasted_iota(jnp.int32, (128, 8), 1)
    fold = (gi == gj).astype(jnp.float32)
    x = jnp.dot(part, fold, preferred_element_type=jnp.float32)
    per = jnp.maximum(x, 0.0) - x * y + jnp.log1p(jnp.exp(-jnp.abs(x)))
    out_ref[0, 0] = jnp.sum(per) * (1.0 / BATCH)


_bce = pl.pallas_call(
    _bce_body,
    out_shape=jax.ShapeDtypeStruct((1, 1), jnp.float32),
    out_specs=pl.BlockSpec(memory_space=pltpu.SMEM),
)


def kernel(center_words, context_words, labels, W_in, W_out):
    part = _sc_dot(center_words.astype(jnp.int32),
                   context_words.astype(jnp.int32), W_in, W_out)
    loss = _bce(part.reshape(BATCH // 8, 128), labels.reshape(BATCH // 8, 8))
    return loss[0, 0]

# --- scband reference (transcript-rebuilt; emitter-appended) ---
"""Pipeline reference for scband-skip-gram-fast-3435973837511 (READ-ONLY COPY).

The authoritative reference and input builder live on the scoring server;
editing this copy changes nothing except your own understanding.
"""

import jax, jax.numpy as jnp
import numpy as np

VOCAB = 1000000
DIM = 64
BATCH = 16384


def setup_inputs(seed: int = 0) -> dict:
    key = jax.random.key(seed)
    k1, k2, k3, k4, k5 = jax.random.split(key, 5)
    center_words = jax.random.randint(k1, (BATCH,), 0, VOCAB, dtype=jnp.int64 if jax.config.jax_enable_x64 else jnp.int32)
    context_words = jax.random.randint(k2, (BATCH,), 0, VOCAB, dtype=jnp.int64 if jax.config.jax_enable_x64 else jnp.int32)
    labels = jax.random.uniform(k3, (BATCH,), dtype=jnp.float32)
    bound = 0.5 / DIM
    W_in = jax.random.uniform(k4, (VOCAB, DIM), minval=-bound, maxval=bound, dtype=jnp.float32)
    W_out = jax.random.uniform(k5, (VOCAB, DIM), minval=-bound, maxval=bound, dtype=jnp.float32)
    return {"center_words": center_words, "context_words": context_words, "labels": labels, "W_in": W_in, "W_out": W_out}


def _bce_with_logits(logits, targets):
    # mean over batch of: max(x,0) - x*y + log(1 + exp(-|x|))
    per = jnp.maximum(logits, 0.0) - logits * targets + jnp.log1p(jnp.exp(-jnp.abs(logits)))
    return jnp.mean(per)


def reference(center_words, context_words, labels, W_in, W_out):
    input_embeds = jnp.take(W_in, center_words, axis=0)
    output_embeds = jnp.take(W_out, context_words, axis=0)
    dot_product = jnp.sum(input_embeds * output_embeds, axis=1)
    loss = _bce_with_logits(dot_product, labels)
    return loss

if __name__ == "__main__":
    import jax
    _d = setup_inputs()
    print(jax.jit(kernel)(*tuple(_d.values())))

</pallas_src>

<mosaic_0001>
#map = affine_map<(d0, d1) -> (0)>
#map1 = affine_map<(d0, d1) -> (0, 0)>
module attributes {stable_mosaic.version = 14 : i64} {
  func.func @sc_dot(%arg0: i32, %arg1: i32, %arg2: memref<16384xi32, #tpu.memory_space<hbm>>, %arg3: memref<16384xi32, #tpu.memory_space<hbm>>, %arg4: memref<1000000x64xf32, #tpu.memory_space<hbm>>, %arg5: memref<1000000x64xf32, #tpu.memory_space<hbm>>, %arg6: memref<16384x16xf32, #tpu.memory_space<hbm>>, %arg7: memref<512xi32, #tpu.memory_space<vmem>>, %arg8: memref<512xi32, #tpu.memory_space<vmem>>, %arg9: memref<512x64xf32, #tpu.memory_space<vmem>>, %arg10: memref<512x64xf32, #tpu.memory_space<vmem>>, %arg11: memref<512x16xf32, #tpu.memory_space<vmem>>, %arg12: memref<!tpu.dma_semaphore, #tpu.memory_space<semaphore_mem>>, %arg13: memref<!tpu.dma_semaphore, #tpu.memory_space<semaphore_mem>>) attributes {dimension_semantics = [#tpu.dimension_semantics<core_parallel>, #tpu.dimension_semantics<subcore_parallel>], iteration_bounds = array<i64: 2, 16>, scalar_prefetch = 0 : i64, scratch_operands = 7 : i64, tpu.core_type = #tpu.core_type<sc_vector_subcore>, window_params = [{transform_indices = #map}, {transform_indices = #map}, {transform_indices = #map1}, {transform_indices = #map1}, {transform_indices = #map1}]} {
    %mul3A = arith.constant 2 : i32
    %mul3A_0 = arith.muli %arg1, %mul3A : i32
    %add3A = arith.addi %mul3A_0, %arg0 : i32
    %mul3A_1 = arith.constant 512 : i32
    %mul3A_2 = arith.muli %add3A, %mul3A_1 : i32
    "tpu.region"() ({
      %run_scoped3A = tpu.sem_alloc : memref<!tpu.dma_semaphore, #tpu.memory_space<semaphore_mem>>
      %dma_start3A_19 = tpu.memref_slice %arg2[%mul3A_2] : memref<16384xi32, #tpu.memory_space<hbm>> -> memref<512xi32, #tpu.memory_space<hbm>>
      %dma_start3A_20 = tpu.memref_slice %arg2[%mul3A_2] : memref<16384xi32, #tpu.memory_space<hbm>> -> memref<512xi32, #tpu.memory_space<hbm>>
      tpu.enqueue_dma source(%dma_start3A_20 : memref<512xi32, #tpu.memory_space<hbm>>) target(%arg7 : memref<512xi32, #tpu.memory_space<vmem>>) target_semaphore(%run_scoped3A : memref<!tpu.dma_semaphore, #tpu.memory_space<semaphore_mem>>)
      %dma_wait3A_21 = tpu.memref_slice %arg2[%mul3A_2] : memref<16384xi32, #tpu.memory_space<hbm>> -> memref<512xi32, #tpu.memory_space<hbm>>
      %dma_wait3A_22 = tpu.memref_slice %arg2[%mul3A_2] : memref<16384xi32, #tpu.memory_space<hbm>> -> memref<512xi32, #tpu.memory_space<hbm>>
      tpu.wait_dma2 semaphore(%run_scoped3A : memref<!tpu.dma_semaphore, #tpu.memory_space<semaphore_mem>>) src(%dma_wait3A_22 : memref<512xi32, #tpu.memory_space<hbm>>) dst(%arg7 : memref<512xi32, #tpu.memory_space<vmem>>)
      tpu.yield
    }) : () -> ()
    "tpu.region"() ({
      %run_scoped3A = tpu.sem_alloc : memref<!tpu.dma_semaphore, #tpu.memory_space<semaphore_mem>>
      %dma_start3A_19 = tpu.memref_slice %arg3[%mul3A_2] : memref<16384xi32, #tpu.memory_space<hbm>> -> memref<512xi32, #tpu.memory_space<hbm>>
      %dma_start3A_20 = tpu.memref_slice %arg3[%mul3A_2] : memref<16384xi32, #tpu.memory_space<hbm>> -> memref<512xi32, #tpu.memory_space<hbm>>
      tpu.enqueue_dma source(%dma_start3A_20 : memref<512xi32, #tpu.memory_space<hbm>>) target(%arg8 : memref<512xi32, #tpu.memory_space<vmem>>) target_semaphore(%run_scoped3A : memref<!tpu.dma_semaphore, #tpu.memory_space<semaphore_mem>>)
      %dma_wait3A_21 = tpu.memref_slice %arg3[%mul3A_2] : memref<16384xi32, #tpu.memory_space<hbm>> -> memref<512xi32, #tpu.memory_space<hbm>>
      %dma_wait3A_22 = tpu.memref_slice %arg3[%mul3A_2] : memref<16384xi32, #tpu.memory_space<hbm>> -> memref<512xi32, #tpu.memory_space<hbm>>
      tpu.wait_dma2 semaphore(%run_scoped3A : memref<!tpu.dma_semaphore, #tpu.memory_space<semaphore_mem>>) src(%dma_wait3A_22 : memref<512xi32, #tpu.memory_space<hbm>>) dst(%arg8 : memref<512xi32, #tpu.memory_space<vmem>>)
      tpu.yield
    }) : () -> ()
    %dma_start3A = arith.constant 0 : i32
    %dma_start3A_3 = arith.constant 0 : i32
    %dma_start3A_4 = tpu.memref_slice %arg4[%dma_start3A, %dma_start3A_3] : memref<1000000x64xf32, #tpu.memory_space<hbm>> -> memref<1000000x64xf32, #tpu.memory_space<hbm>>
    tpu.enqueue_indirect_dma source(%dma_start3A_4 : memref<1000000x64xf32, #tpu.memory_space<hbm>>) target(%arg9 : memref<512x64xf32, #tpu.memory_space<vmem>>) offsets(%arg7 : memref<512xi32, #tpu.memory_space<vmem>>) semaphore(%arg12 : memref<!tpu.dma_semaphore, #tpu.memory_space<semaphore_mem>>)
    %dma_start3A_5 = arith.constant 0 : i32
    %dma_start3A_6 = arith.constant 0 : i32
    %dma_start3A_7 = tpu.memref_slice %arg5[%dma_start3A_5, %dma_start3A_6] : memref<1000000x64xf32, #tpu.memory_space<hbm>> -> memref<1000000x64xf32, #tpu.memory_space<hbm>>
    tpu.enqueue_indirect_dma source(%dma_start3A_7 : memref<1000000x64xf32, #tpu.memory_space<hbm>>) target(%arg10 : memref<512x64xf32, #tpu.memory_space<vmem>>) offsets(%arg8 : memref<512xi32, #tpu.memory_space<vmem>>) semaphore(%arg13 : memref<!tpu.dma_semaphore, #tpu.memory_space<semaphore_mem>>)
    %dma_wait3A = arith.constant 0 : i32
    %dma_wait3A_8 = arith.constant 0 : i32
    %dma_wait3A_9 = tpu.memref_slice %arg4[%dma_wait3A, %dma_wait3A_8] : memref<1000000x64xf32, #tpu.memory_space<hbm>> -> memref<1000000x64xf32, #tpu.memory_space<hbm>>
    tpu.wait_indirect_dma semaphore(%arg12 : memref<!tpu.dma_semaphore, #tpu.memory_space<semaphore_mem>>) src(%dma_wait3A_9 : memref<1000000x64xf32, #tpu.memory_space<hbm>>) dst(%arg9 : memref<512x64xf32, #tpu.memory_space<vmem>>)
    %dma_wait3A_10 = arith.constant 0 : i32
    %dma_wait3A_11 = arith.constant 0 : i32
    %dma_wait3A_12 = tpu.memref_slice %arg5[%dma_wait3A_10, %dma_wait3A_11] : memref<1000000x64xf32, #tpu.memory_space<hbm>> -> memref<1000000x64xf32, #tpu.memory_space<hbm>>
    tpu.wait_indirect_dma semaphore(%arg13 : memref<!tpu.dma_semaphore, #tpu.memory_space<semaphore_mem>>) src(%dma_wait3A_12 : memref<1000000x64xf32, #tpu.memory_space<hbm>>) dst(%arg10 : memref<512x64xf32, #tpu.memory_space<vmem>>)
    %scan3A = arith.constant 0 : i32
    %scan3A_13 = arith.constant 0 : i32
    %scan3A_14 = arith.constant 512 : i32
    %scan3A_15 = arith.addi %scan3A_13, %scan3A_14 : i32
    %scan3A_16 = arith.constant 1 : i32
    %scan3A_17 = scf.for %scan3A_19 = %scan3A_13 to %scan3A_15 step %scan3A_16 iter_args(%scan3A_20 = %scan3A) -> (i32)  : i32 {
      %broadcast_in_dim3A = arith.constant 0.000000e+00 : f32
      %broadcast_in_dim3A_21 = vector.broadcast %broadcast_in_dim3A : f32 to vector<16xf32>
      %get3A = arith.index_cast %scan3A_19 : i32 to index
      %get3A_22 = arith.constant 0 : index
      %get3A_23 = tpu.vector_load %arg9[%get3A, %get3A_22] {strides = array<i32>} : memref<512x64xf32, #tpu.memory_space<vmem>>, vector<1x16xf32>,
      %get3A_24 = vector.shape_cast %get3A_23 : vector<1x16xf32> to vector<16xf32>
      %get3A_25 = arith.index_cast %scan3A_19 : i32 to index
      %get3A_26 = arith.constant 0 : index
      %get3A_27 = tpu.vector_load %arg10[%get3A_25, %get3A_26] {strides = array<i32>} : memref<512x64xf32, #tpu.memory_space<vmem>>, vector<1x16xf32>,
      %get3A_28 = vector.shape_cast %get3A_27 : vector<1x16xf32> to vector<16xf32>
      %mul3A_29 = arith.mulf %get3A_24, %get3A_28 : vector<16xf32>
      %add3A_30 = arith.addf %broadcast_in_dim3A_21, %mul3A_29 : vector<16xf32>
      %get3A_31 = arith.index_cast %scan3A_19 : i32 to index
      %get3A_32 = arith.constant 16 : index
      %get3A_33 = tpu.vector_load %arg9[%get3A_31, %get3A_32] {strides = array<i32>} : memref<512x64xf32, #tpu.memory_space<vmem>>, vector<1x16xf32>,
      %get3A_34 = vector.shape_cast %get3A_33 : vector<1x16xf32> to vector<16xf32>
      %get3A_35 = arith.index_cast %scan3A_19 : i32 to index
      %get3A_36 = arith.constant 16 : index
      %get3A_37 = tpu.vector_load %arg10[%get3A_35, %get3A_36] {strides = array<i32>} : memref<512x64xf32, #tpu.memory_space<vmem>>, vector<1x16xf32>,
      %get3A_38 = vector.shape_cast %get3A_37 : vector<1x16xf32> to vector<16xf32>
      %mul3A_39 = arith.mulf %get3A_34, %get3A_38 : vector<16xf32>
      %add3A_40 = arith.addf %add3A_30, %mul3A_39 : vector<16xf32>
      %get3A_41 = arith.index_cast %scan3A_19 : i32 to index
      %get3A_42 = arith.constant 32 : index
      %get3A_43 = tpu.vector_load %arg9[%get3A_41, %get3A_42] {strides = array<i32>} : memref<512x64xf32, #tpu.memory_space<vmem>>, vector<1x16xf32>,
      %get3A_44 = vector.shape_cast %get3A_43 : vector<1x16xf32> to vector<16xf32>
      %get3A_45 = arith.index_cast %scan3A_19 : i32 to index
      %get3A_46 = arith.constant 32 : index
      %get3A_47 = tpu.vector_load %arg10[%get3A_45, %get3A_46] {strides = array<i32>} : memref<512x64xf32, #tpu.memory_space<vmem>>, vector<1x16xf32>,
      %get3A_48 = vector.shape_cast %get3A_47 : vector<1x16xf32> to vector<16xf32>
      %mul3A_49 = arith.mulf %get3A_44, %get3A_48 : vector<16xf32>
      %add3A_50 = arith.addf %add3A_40, %mul3A_49 : vector<16xf32>
      %get3A_51 = arith.index_cast %scan3A_19 : i32 to index
      %get3A_52 = arith.constant 48 : index
      %get3A_53 = tpu.vector_load %arg9[%get3A_51, %get3A_52] {strides = array<i32>} : memref<512x64xf32, #tpu.memory_space<vmem>>, vector<1x16xf32>,
      %get3A_54 = vector.shape_cast %get3A_53 : vector<1x16xf32> to vector<16xf32>
      %get3A_55 = arith.index_cast %scan3A_19 : i32 to index
      %get3A_56 = arith.constant 48 : index
      %get3A_57 = tpu.vector_load %arg10[%get3A_55, %get3A_56] {strides = array<i32>} : memref<512x64xf32, #tpu.memory_space<vmem>>, vector<1x16xf32>,
      %get3A_58 = vector.shape_cast %get3A_57 : vector<1x16xf32> to vector<16xf32>
      %mul3A_59 = arith.mulf %get3A_54, %get3A_58 : vector<16xf32>
      %add3A_60 = arith.addf %add3A_50, %mul3A_59 : vector<16xf32>
      %swap3A = arith.index_cast %scan3A_19 : i32 to index
      %swap3A_61 = arith.constant 0 : index
      %swap3A_62 = tpu.vector_load %arg11[%swap3A, %swap3A_61] {strides = array<i32>} : memref<512x16xf32, #tpu.memory_space<vmem>>, vector<1x16xf32>,
      %swap3A_63 = vector.shape_cast %swap3A_62 : vector<1x16xf32> to vector<16xf32>
      %swap3A_64 = vector.shape_cast %add3A_60 : vector<16xf32> to vector<1x16xf32>
      tpu.vector_store %arg11[%swap3A, %swap3A_61], %swap3A_64 {strides = array<i32>} : memref<512x16xf32, #tpu.memory_space<vmem>>, vector<1x16xf32>,
      %scan3A_65 = arith.constant 0 : i32
      scf.yield %scan3A_65 : i32
    }
    %scan3A_18 = arith.constant 512 : i32
    "tpu.region"() ({
      %run_scoped3A = tpu.sem_alloc : memref<!tpu.dma_semaphore, #tpu.memory_space<semaphore_mem>>
      %dma_start3A_19 = arith.constant 0 : i32
      %dma_start3A_20 = tpu.memref_slice %arg6[%mul3A_2, %dma_start3A_19] : memref<16384x16xf32, #tpu.memory_space<hbm>> -> memref<512x16xf32, #tpu.memory_space<hbm>>
      %dma_start3A_21 = arith.constant 0 : i32
      %dma_start3A_22 = tpu.memref_slice %arg6[%mul3A_2, %dma_start3A_21] : memref<16384x16xf32, #tpu.memory_space<hbm>> -> memref<512x16xf32, #tpu.memory_space<hbm>>
      tpu.enqueue_dma source(%arg11 : memref<512x16xf32, #tpu.memory_space<vmem>>) target(%dma_start3A_22 : memref<512x16xf32, #tpu.memory_space<hbm>>) target_semaphore(%run_scoped3A : memref<!tpu.dma_semaphore, #tpu.memory_space<semaphore_mem>>)
      %dma_wait3A_23 = arith.constant 0 : i32
      %dma_wait3A_24 = tpu.memref_slice %arg6[%mul3A_2, %dma_wait3A_23] : memref<16384x16xf32, #tpu.memory_space<hbm>> -> memref<512x16xf32, #tpu.memory_space<hbm>>
      %dma_wait3A_25 = arith.constant 0 : i32
      %dma_wait3A_26 = tpu.memref_slice %arg6[%mul3A_2, %dma_wait3A_25] : memref<16384x16xf32, #tpu.memory_space<hbm>> -> memref<512x16xf32, #tpu.memory_space<hbm>>
      tpu.wait_dma2 semaphore(%run_scoped3A : memref<!tpu.dma_semaphore, #tpu.memory_space<semaphore_mem>>) src(%arg11 : memref<512x16xf32, #tpu.memory_space<vmem>>) dst(%dma_wait3A_26 : memref<512x16xf32, #tpu.memory_space<hbm>>)
      tpu.yield
    }) : () -> ()
    return
  }
}

module attributes {stable_mosaic.version = 14 : i64} {
  func.func @_bce_body(%arg0: memref<2048x128xf32, #tpu.memory_space<vmem>>, %arg1: memref<2048x8xf32, #tpu.memory_space<vmem>>, %arg2: memref<1x1xf32, #tpu.memory_space<smem>>) attributes {dimension_semantics = [], scalar_prefetch = 0 : i64, scratch_operands = 0 : i64, tpu.core_type = #tpu.core_type<tc>} {
    %get3A = arith.constant 0 : index
    %get3A_0 = arith.constant 0 : index
    %get3A_1 = vector.load %arg0[%get3A, %get3A_0] : memref<2048x128xf32, #tpu.memory_space<vmem>>, vector<2048x128xf32>
    %get3A_2 = arith.constant 0 : index
    %get3A_3 = arith.constant 0 : index
    %get3A_4 = vector.load %arg1[%get3A_2, %get3A_3] : memref<2048x8xf32, #tpu.memory_space<vmem>>, vector<2048x8xf32>
    %iota3A = tpu.iota {dimensions = array<i32: 0>} : vector<128x8xi32>
    %jit3A = arith.constant 16 : i32
    %div3A = vector.broadcast %jit3A : i32 to vector<128x8xi32>
    %div3A_5 = arith.divsi %iota3A, %div3A : vector<128x8xi32>
    %sign3A = arith.constant 0 : i32
    %sign3A_6 = vector.broadcast %sign3A : i32 to vector<128x8xi32>
    %sign3A_7 = arith.cmpi sgt, %iota3A, %sign3A_6 : vector<128x8xi32>
    %sign3A_8 = arith.extui %sign3A_7 : vector<128x8xi1> to vector<128x8xi32>
    %sign3A_9 = arith.constant 0 : i32
    %sign3A_10 = vector.broadcast %sign3A_9 : i32 to vector<128x8xi32>
    %sign3A_11 = arith.cmpi slt, %iota3A, %sign3A_10 : vector<128x8xi32>
    %sign3A_12 = arith.extui %sign3A_11 : vector<128x8xi1> to vector<128x8xi32>
    %sign3A_13 = arith.subi %sign3A_8, %sign3A_12 : vector<128x8xi32>
    %sign3A_14 = arith.constant 0 : i32
    %sign3A_15 = arith.cmpi sgt, %jit3A, %sign3A_14 : i32
    %sign3A_16 = arith.extui %sign3A_15 : i1 to i32
    %sign3A_17 = arith.constant 0 : i32
    %sign3A_18 = arith.cmpi slt, %jit3A, %sign3A_17 : i32
    %sign3A_19 = arith.extui %sign3A_18 : i1 to i32
    %sign3A_20 = arith.subi %sign3A_16, %sign3A_19 : i32
    %ne3A = vector.broadcast %sign3A_20 : i32 to vector<128x8xi32>
    %ne3A_21 = arith.cmpi ne, %sign3A_13, %ne3A : vector<128x8xi32>
    %rem3A = vector.broadcast %jit3A : i32 to vector<128x8xi32>
    %rem3A_22 = arith.remsi %iota3A, %rem3A : vector<128x8xi32>
    %ne3A_23 = arith.constant 0 : i32
    %ne3A_24 = vector.broadcast %ne3A_23 : i32 to vector<128x8xi32>
    %ne3A_25 = arith.cmpi ne, %rem3A_22, %ne3A_24 : vector<128x8xi32>
    %and3A = arith.andi %ne3A_21, %ne3A_25 : vector<128x8xi1>
    %sub3A = arith.constant 1 : i32
    %sub3A_26 = vector.broadcast %sub3A : i32 to vector<128x8xi32>
    %sub3A_27 = arith.subi %div3A_5, %sub3A_26 : vector<128x8xi32>
    %select_n3A = arith.select %and3A, %sub3A_27, %div3A_5 : vector<128x8xi1>, vector<128x8xi32>
    %iota3A_28 = tpu.iota {dimensions = array<i32: 1>} : vector<128x8xi32>
    %eq3A = arith.cmpi eq, %select_n3A, %iota3A_28 : vector<128x8xi32>
    %convert_element_type3A = arith.extui %eq3A : vector<128x8xi1> to vector<128x8xi32>
    %convert_element_type3A_29 = arith.sitofp %convert_element_type3A : vector<128x8xi32> to vector<128x8xf32>
    %dot_general3A = arith.constant dense<0.000000e+00> : vector<2048x8xf32>
    %dot_general3A_30 = tpu.matmul %get3A_1, %convert_element_type3A_29, %dot_general3A {dimension_numbers = #tpu.dot_dimension_numbers<[1], [0], [0], [1], [0, 0, 1, 1], [], []>, transpose_lhs_hint = false} : vector<2048x128xf32>, vector<128x8xf32>, vector<2048x8xf32> -> vector<2048x8xf32>
    %max3A = arith.constant 0.000000e+00 : f32
    %max3A_31 = vector.broadcast %max3A : f32 to vector<2048x8xf32>
    %max3A_32 = arith.maximumf %dot_general3A_30, %max3A_31 : vector<2048x8xf32>
    %mul3A = arith.mulf %dot_general3A_30, %get3A_4 : vector<2048x8xf32>
    %sub3A_33 = arith.subf %max3A_32, %mul3A : vector<2048x8xf32>
    %abs3A = math.absf %dot_general3A_30 : vector<2048x8xf32>
    %neg3A = arith.constant 0.000000e+00 : f32
    %neg3A_34 = vector.broadcast %neg3A : f32 to vector<2048x8xf32>
    %neg3A_35 = arith.subf %neg3A_34, %abs3A : vector<2048x8xf32>
    %exp3A = math.exp %neg3A_35 : vector<2048x8xf32>
    %log1p3A = math.log1p %exp3A : vector<2048x8xf32>
    %add3A = arith.addf %sub3A_33, %log1p3A : vector<2048x8xf32>
    %reduce_sum3A = vector.shape_cast %add3A : vector<2048x8xf32> to vector<1x2048x8xf32>
    %reduce_sum3A_36 = arith.constant dense<0.000000e+00> : vector<1xf32>
    %reduce_sum3A_37 = vector.multi_reduction <add>, %reduce_sum3A, %reduce_sum3A_36 [1, 2] : vector<1x2048x8xf32> to vector<1xf32>
    %reduce_sum3A_38 = vector.shape_cast %reduce_sum3A_37 : vector<1xf32> to vector<1x1x1xf32>
    %reduce_sum3A_39 = vector.extract %reduce_sum3A_38[0, 0, 0] : f32 from vector<1x1x1xf32>
    %mul3A_40 = arith.constant 6.10351563E-5 : f32
    %mul3A_41 = arith.mulf %reduce_sum3A_39, %mul3A_40 : f32
    %swap3A = arith.constant 0 : index
    %swap3A_42 = arith.constant 0 : index
    %swap3A_43 = memref.load %arg2[%swap3A, %swap3A_42] : memref<1x1xf32, #tpu.memory_space<smem>>
    memref.store %mul3A_41, %arg2[%swap3A, %swap3A_42] : memref<1x1xf32, #tpu.memory_space<smem>>
    return
  }
}

</mosaic_0001>

<sc_bundles>
// kernel: kernel.4.cloned.1.call-start
scs
__scs_entry_jumppad:
0x0: {  	(pc) =	sbr.rel $0x88, $3  }
0x1: {  	(tag) =	ssettag $0x0;
	lr =	simm.s32 $0x1  }
0x2: {  	[smem:$0x3F9C] =	sst lr;
	_ =	strace $0xD0000000  }
0x3: {  	_ = 	snop  }
0x4: {  	_ = 	snop  }
0x5: {  	_ = 	snop  }
0x6: {  	_ = 	snop  }
0x7: {  	_ = 	snop  }
__scs_overlays_trampoline_lowered:
0x8: {  	[smem:$0x3FAB] =	sst s0  }
0x9: {  	[smem:$0x3FAC] =	sst s1  }
0xa: {  	[smem:$0x3FAD] =	sst s2  }
0xb: {  	[smem:$0x3FAE] =	sst s3  }
0xc: {  	[smem:$0x3FAF] =	sst s4  }
0xd: {  	[smem:$0x3FB0] =	sst s5  }
0xe: {  	[smem:$0x3FB1] =	sst s6  }
0xf: {  	[smem:$0x3FB2] =	sst s7  }
0x10: {  	[smem:$0x3FB3] =	sst s8  }
0x11: {  	[smem:$0x3FB4] =	sst s9;
	s0 =	simm.s32 @!p0 $0x0  }
0x12: {  	s1 =	sld [smem:$0x3F9A];
	s0 =	simm.s32 @p0 $0x1  }
0x13: {  	[smem:$0x3FB5] =	sst s0;
	s0 =	simm.s32 @!p1 $0x0  }
0x14: {  	s2 =	sld [smem:$0x3F99];
	s0 =	simm.s32 @p1 $0x1  }
0x15: {  	[smem:$0x3FB6] =	sst s0;
	s0 =	simm.s32 @!p2 $0x0  }
0x16: {  	s3 =	sld [smem:$0x3FDB];
	s0 =	simm.s32 @p2 $0x1  }
0x17: {  	s4 =	simm.s32 $0x1BF5;
	[smem:$0x3FB8] =	sst s0  }
0x18: {  	s0 =	sld [smem:$0x3F9B];
	_ =	swait.ge [sflag:s4], $0x0  }
0x19: {  	s7 =	sld [smem:$0x3F9C]  }
0x1a: {  	s8 =	sadd.s32 $0xFFFFE003, lr  }
0x1b: {  	s9 =	sadd.s32 $0xFFFFFEF7, lr;
	s5 =	simm.s32 $0xFFFFFFFF;
	p2 =	slt.u32 s8, $0xFFFFF086  }
0x1c: {  	p1 =	slt.u32 s9, $0xF7A;
	s5 =	simm.s32 @!p2 $0x0  }
0x1d: {  	s5 =	simm.s32 @p1 $0x1;
	p0 =	seq.s32 s7, s2  }
0x1e: {  	s7 =	smul.u32 @!p0 $0xF7A, s2;
	p2 =	seq.s32 @!p0 s5, $0x0  }
0x1f: {  	s9 =	smul.u32 $0xF7A, s1;
	s8 =	simm.s32 @!p0 $0x1BF5;
	p2 =	por !p2, p0  }
0x20: {  	[sflag:s8] =	ssyncset.s32 @!p0 $0xFFFFF086;
	s6 =	sadd.s32 @!p0 s3, s7;
	s7 =	simm.s32 @!p0 $0x108  }
0x21: {  	s3 =	sadd.s32 s3, s9;
	s6 =	sadd.s32 @!p0 $0x88, s6;
	s7 =	simm.s32 @p2 $0x1082  }
0x22: {  	[simem:s7], [sflag:s8] =	dma.local @!p0 [hbm:s6], $0xF7A  }
0x23: {  	s9 =	sor.u32 $0xD0000000, s2;
	s6 =	simm.s32 $0x108;
	_ =	swait.ge @!p0 [sflag:s8], $0x0  }
0x24: {  	s3 =	sadd.s32 $0x88, s3;
	s6 =	simm.s32 @!p1 $0x1082;
	[sflag:s4] =	ssyncset.s32 $0xFFFFF086  }
0x25: {  	[simem:s6], [sflag:s4] =	dma.local [hbm:s3], $0xF7A  }
0x26: {  	[smem:$0x3F9C] =	sst s1;
	(tag) =	ssettag s2;
	_ =	strace s9  }
0x27: {  	s1 =	sld [smem:$0x3FAC]  }
0x28: {  	s2 =	sld [smem:$0x3FAD]  }
0x29: {  	s4 =	sld [smem:$0x3FAF]  }
0x2a: {  	p0 =	seq.s32 s5, $0x0;
	s5 =	sld [smem:$0x3FB0]  }
0x2b: {  	s6 =	sld [smem:$0x3FB1]  }
0x2c: {  	s7 =	sld [smem:$0x3FB2]  }
0x2d: {  	s3 =	simm.s32 $0x108;
	s8 =	sld [smem:$0x3FB3]  }
0x2e: {  	s3 =	simm.s32 @!p0 $0x1082;
	s9 =	sld [smem:$0x3FB4]  }
0x2f: {  	lr =	sadd.s32 s0, s3;
	s0 =	sld [smem:$0x3FAB]  }
0x30: {  	s3 =	sld [smem:$0x3FAE]  }
0x31: {  	[smem:$0x3FB7] =	sst s10  }
0x32: {  	s10 =	sld [smem:$0x3FB5];
	_ =	sdelay $0x3  }
0x33: {  	p0 =	seq.s32 s10, $0x1;
	s10 =	sld [smem:$0x3FB7];
	_ =	sdelay $0x3  }
0x34: {  	[smem:$0x3FB7] =	sst s10  }
0x35: {  	s10 =	sld [smem:$0x3FB6];
	_ =	sdelay $0x3  }
0x36: {  	p1 =	seq.s32 s10, $0x1;
	s10 =	sld [smem:$0x3FB7];
	_ =	sdelay $0x3  }
0x37: {  	[smem:$0x3FB7] =	sst s10  }
0x38: {  	s10 =	sld [smem:$0x3FB8]  }
0x39: {  	_ = 	snop;
	(pc) =	sbr.ind lr, $3  }
0x3a: {  	_ = 	snop  }
0x3b: {  	_ = 	snop  }
0x3c: {  	p2 =	seq.s32 s10, $0x1;
	s10 =	sld [smem:$0x3FB7]  }
0x3d: {  	_ =	shalt  }
0x3e: {  	_ =	shalt  }
0x3f: {  	_ =	shalt  }
0x40: {  	_ =	shalt  }
0x41: {  	_ =	shalt  }
0x42: {  	_ =	shalt  }
0x43: {  	_ =	shalt  }
0x44: {  	_ =	shalt  }
0x45: {  	_ =	shalt  }
0x46: {  	_ =	shalt  }
0x47: {  	_ =	shalt  }
0x48: {  	_ =	shalt  }
0x49: {  	_ =	shalt  }
0x4a: {  	_ =	shalt  }
0x4b: {  	_ =	shalt  }
0x4c: {  	_ =	shalt  }
0x4d: {  	_ =	shalt  }
0x4e: {  	_ =	shalt  }
0x4f: {  	_ =	shalt  }
0x50: {  	_ =	shalt  }
0x51: {  	_ =	shalt  }
0x52: {  	_ =	shalt  }
0x53: {  	_ =	shalt  }
0x54: {  	_ =	shalt  }
0x55: {  	_ =	shalt  }
0x56: {  	_ =	shalt  }
0x57: {  	_ =	shalt  }
0x58: {  	_ =	shalt  }
0x59: {  	_ =	shalt  }
0x5a: {  	_ =	shalt  }
0x5b: {  	_ =	shalt  }
0x5c: {  	_ =	shalt  }
0x5d: {  	_ =	shalt  }
0x5e: {  	_ =	shalt  }
0x5f: {  	_ =	shalt  }
0x60: {  	_ =	shalt  }
0x61: {  	_ =	shalt  }
0x62: {  	_ =	shalt  }
0x63: {  	_ =	shalt  }
0x64: {  	_ =	shalt  }
0x65: {  	_ =	shalt  }
0x66: {  	_ =	shalt  }
0x67: {  	_ =	shalt  }
0x68: {  	_ =	shalt  }
0x69: {  	_ =	shalt  }
0x6a: {  	_ =	shalt  }
0x6b: {  	_ =	shalt  }
0x6c: {  	_ =	shalt  }
0x6d: {  	_ =	shalt  }
0x6e: {  	_ =	shalt  }
0x6f: {  	_ =	shalt  }
0x70: {  	_ =	shalt  }
0x71: {  	_ =	shalt  }
0x72: {  	_ =	shalt  }
0x73: {  	_ =	shalt  }
0x74: {  	_ =	shalt  }
0x75: {  	_ =	shalt  }
0x76: {  	_ =	shalt  }
0x77: {  	_ =	shalt  }
0x78: {  	_ =	shalt  }
0x79: {  	_ =	shalt  }
0x7a: {  	_ =	shalt  }
0x7b: {  	_ =	shalt  }
0x7c: {  	_ =	shalt  }
0x7d: {  	_ =	shalt  }
0x7e: {  	_ =	shalt  }
0x7f: {  	_ =	shalt  }
0x80: {  	_ =	shalt  }
0x81: {  	_ =	shalt  }
0x82: {  	_ =	shalt  }
0x83: {  	_ =	shalt  }
0x84: {  	_ =	shalt  }
0x85: {  	_ =	shalt  }
0x86: {  	_ =	shalt  }
0x87: {  	_ =	shalt  }
.Lfunc_end0:
.L_simem_size_0:
called_computation_lowered:
.L_overlay_start_0:
0x88: {  	s2 =	sld [smem:$0x3FD9]  }
0x89: {  	s3 =	sld [smem:$0x3FFE];
	_ =	sdelay $0x1  }
0x8a: {  	s1 =	srdreg.scid  }
0x8b: {  	s0 =	sand.u32 $0x1, s1  }
0x8c: {  	s17 =	sshll.u32 s0, $0xA;
	s2 =	sadd.s32 s3, s2  }
0x8d: {  	s2 =	sadd.s32 s2, s17  }
0x8e: {  	[smem:$0x3FC3] =	sst s2  }
0x8f: {  	_ = 	snop  }
0x90: {  	s2 =	sld [smem:$0x3FC9]  }
0x91: {  	s18 =	sld [smem:$0x3FC8];
	(tm) =	ssettm $0x1  }
0x92: {  	s4 =	sld [smem:$0x3FFB];
	_ =	sdelay $0x3  }
0x93: {  	_ =	strace s4  }
0x94: {  	s4 =	sld [smem:$0x3FFC];
	_ =	sdelay $0x3  }
0x95: {  	_ =	strace s4  }
0x96: {  	s4 =	sld [smem:$0x3FFD];
	_ =	sdelay $0x3  }
0x97: {  	_ =	strace s4  }
0x98: {  	_ =	strace $0x8FFFFFFF  }
0x99: {  	s19 =	sld [smem:$0x3FDB];
	_ =	sdelay $0x1  }
0x9a: {  	s5 =	simm.s32 $_scs_section_size  }
0x9b: {  	s6 =	simm.s32 $_size__tile_overlayer_lowered;
	s7 =	simm.s32 $_tile_overlayer_lowered  }
0x9c: {  	s22 =	simm.s32 $0x1BFF;
	s21 =	sshll.u32 s7, $0x1;
	s4 =	sadd.s32 s5, s19  }
0x9d: {  	s8 =	simm.s32 $0x0;
	s20 =	sshll.u32 s6, $0x1;
	s6 =	sadd.s32 s21, s4  }
0x9e: {  	[timem:s8], [sflag:s22] =	dma.local [hbm:s6], s20  }
0x9f: {  	_ =	swait.ge [sflag:s22], s20  }
0xa0: {  	s5 =	ssub.s32 $0x0, s20;
	[sflag:s22] =	ssyncset.done $0x0  }
0xa1: {  	[sflag:s22] =	ssyncadd.s32 s5;
	_ =	sdelay $0x1  }
0xa2: {  	s23 =	simm.s32 $0x1B8B  }
0xa3: {  	_ =	swait.ge [sflag:s23], $0x1  }
0xa4: {  	[sflag:s23] =	ssyncset.done $0x0  }
0xa5: {  	s25 =	simm.s32 $0x1B8E;
	s24 =	sld [smem:$0x3FFE];
	[sflag:s23] =	ssyncadd.s32 $0xFFFFFFFF  }
0xa6: {  	s26 =	simm.s32 $execute0_lowered;
	[smem:$0x3FD2] =	sst s25  }
0xa7: {  	s6 =	sshll.u32 s26, $0x1;
	_ =	strace $0x80000046;
	[dreg:$0x1] =	wrdreg $0xFFFFFFFF  }
0xa8: {  	s28 =	simm.s32 $_size_execute0_lowered;
	s4 =	sadd.s32 s4, s6;
	[dreg:$0x0] =	wrdreg $0x0  }
0xa9: {  	s6 =	sshll.u32 s28, $0x1;
	[dreg:$0x2] =	wrdreg s4  }
0xaa: {  	[dreg:$0x3] =	wrdreg s6  }
0xab: {  	[dreg:$0x4] =	wrdreg $0xC0  }
0xac: {  	_ =	task [dreg:s8], $0x5FFFF  }
0xad: {  	[dreg:$0x1] =	wrdreg $0xFFFFFFFF  }
0xae: {  	[dreg:$0x0] =	wrdreg $0x60  }
0xaf: {  	[dreg:$0x2] =	wrdreg s2  }
0xb0: {  	[dreg:$0x3] =	wrdreg s18  }
0xb1: {  	[dreg:$0x4] =	wrdreg s24  }
0xb2: {  	[dreg:$0x5] =	wrdreg $0x9  }
0xb3: {  	_ =	task.clear_ibuf [dreg:s8], $0x6FFFF;
	_ =	strace $0x90000046  }
0xb4: {  	s29 =	simm.s32 $0x9;
	_ =	strace $0x80000048  }
0xb5: {  	_ =	swait.ge [sflag:s29], $0x1  }
0xb6: {  	[sflag:s29] =	ssyncadd.s32 $0xFFFFFFFF  }
0xb7: {  	_ =	strace $0x90000048  }
0xb8: {  	_ =	sfence  }
0xb9: {  	s30 =	sld [smem:$0x0];
	_ =	sdelay $0x2  }
0xba: {  	s31 =	sshll.u32 s1, $0xD;
	s1 =	sshrl.u32 s1, $0x2  }
0xbb: {  	s3 =	sand.u32 $0x4000, s31;
	s1 =	sadd.s32 s1, s30  }
0xbc: {  	s0 =	sor.u32 s3, s0;
	s1 =	sshll.u32 s1, $0x11  }
0xbd: {  	s0 =	sor.u32 s1, s0  }
0xbe: {  	s0 =	sadd.s32 $0x8F2B, s0  }
0xbf: {  	[sflag:s0] =	ssyncadd.remote.s32 $0x1  }
0xc0: {  	_ =	sfence.sel $0xFFFF  }
0xc1: {  	[dreg:$0x0] =	wrdreg $0xFFFFFFFF;
	(pc) =	sbr.abs _section_cstart, $3  }
0xc2: {  	[dreg:$0x1] =	wrdreg $0xFFFFFFFF  }
0xc3: {  	_ =	task.clear_ibuf [dreg:s8], $0x2FFFF;
	_ =	strace $0x9FFFFFFF  }
0xc4: {  	(tm) =	ssettm $0x7FFFFFFF  }
0xc5: {  	_ =	shalt  }
tec
execute0_lowered:
.L_overlay_start_1:
0x0: {  	(tag) =	ssettag $0x1  }
0x1: {  	s5 =	rddreg [dreg:$0x0]  }
0x2: {  	s6 =	rddreg [dreg:$0x1]  }
0x3: {  	s7 =	rddreg [dreg:$0x2]  }
0x4: {  	s0 =	rddreg [dreg:$0x3];
	s2 =	simm.s32 $0x0;
	s3 =	srdreg.scid  }
0x5: {  	s1 =	stileid.u32;
	s12 =	simm.s32 $0x8400;
	s13 =	simm.s32 $0x1  }
0x6: {  	s14 =	simm.s32 $0x2;
	s15 =	simm.s32 $0x10400;
	s16 =	simm.s32 $0x0  }
0x7: {  	[smem:$0x7FF] =	sst s2;
	s4 =	sand.u32 $0x1, s3;
	s8 =	sshll.u32 s1, $0xA  }
0x8: {  	s3 =	sadd.s32 $0x16E3E00, s7;
	s9 =	sshll.u32 s4, $0x9;
	s31 =	ssub.s32 $0x2, s4  }
0x9: {  	_ =	strace $0x80000047;
	s8 =	sor.u32 s9, s8;
	s11 =	sshrl.u32 s31, $0x1  }
0xa: {  	s4 =	sadd.s32 $0xF42C00, s7;
	s10 =	sshll.u32 s8, $0x1;
	s9 =	ssub.s32 s31, s11  }
0xb: {  	s8 =	sshrl.u32 s8, $0x3;
	s11 =	simm.s32 $0x400;
	s7 =	sadd.s32 s10, s7  }
0xc: {  	s5 =	sadd.s32 s5, s8;
	s6 =	sadd.s32 s6, s8;
	s8 =	smax.u32 s9, $0x1  }
0xd: {  	s9 =	simm.s32 $0x3;
	s10 =	simm.s32 $0x200;
	s7 =	sadd.s32 $0x800, s7  }
.LBB2_1:
0xe: {  	[tilespmem:s2], [sflag:$0x3] =	stream.linear.gather [hbm4b:s5+s2], $0x200, $0x38;
	[tilespmem:$0x12400] =	vst v63  }
0xf: {  	_ =	swait.ge [sflag:s9], $0x200  }
0x10: {  	[sflag:s9] =	ssyncset.done $0x0  }
0x11: {  	[sflag:s9] =	ssyncadd.s32 $0xFFFFFE00  }
0x12: {  	[tilespmem:s10], [sflag:$0x3] =	stream.linear.gather [hbm4b:s6+s2], $0x200, $0x38;
	[tilespmem:$0x12400] =	vst v63  }
0x13: {  	_ =	swait.ge [sflag:s9], $0x200  }
0x14: {  	[sflag:s9] =	ssyncset.done $0x0  }
0x15: {  	[sflag:s9] =	ssyncadd.s32 $0xFFFFFE00  }
0x16: {  	[tilespmem:s11], [sflag:$0x1] =	stream.indirect.gather [hbm4b:s3+s10], $0x40, s2, s10, $0xb8;
	[tilespmem:$0x12400] =	vst v63  }
0x17: {  	_ = 	snop  }
0x18: {  	[tilespmem:s12], [sflag:$0x2] =	stream.indirect.gather [hbm4b:s4+s10], $0x40, s10, s10, $0xb8;
	[tilespmem:$0x12400] =	vst v63  }
0x19: {  	_ =	swait.ge [sflag:s13], $0x8000  }
0x1a: {  	[sflag:s13] =	ssyncset.done $0x0  }
0x1b: {  	[sflag:s13] =	ssyncadd.s32 $0xFFFF8000  }
0x1c: {  	_ =	swait.ge [sflag:s14], $0x8000  }
0x1d: {  	[sflag:s14] =	ssyncset.done $0x0  }
0x1e: {  	s17 =	simm.s32 $0x0;
	[sflag:s14] =	ssyncadd.s32 $0xFFFF8000  }
0x1f: {  	v0 =	vld [tilespmem:s17+$0x8400]  }
0x20: {  	v1 =	vld [tilespmem:s17+$0x400]  }
0x21: {  	v2 =	vld [tilespmem:s17+$0x410]  }
0x22: {  	v3 =	vld [tilespmem:s17+$0x8410]  }
0x23: {  	v4 =	vld [tilespmem:s17+$0x420]  }
0x24: {  	v5 =	vld [tilespmem:s17+$0x8420]  }
0x25: {  	v6 =	vld [tilespmem:s17+$0x8430];
	v0 =	vmul.f32 v0, v1  }
0x26: {  	v1 =	vld [tilespmem:s17+$0x430]  }
0x27: {  	v2 =	vmul.f32 v3, v2;
	v0 =	vadd.f32 $0.0e+00, v0;
	_ =	sdelay $0x1  }
0x28: {  	v0 =	vadd.f32 v2, v0;
	v2 =	vmul.f32 v5, v4;
	_ =	sdelay $0x1  }
0x29: {  	v1 =	vmul.f32 v6, v1;
	v0 =	vadd.f32 v2, v0;
	_ =	sdelay $0x1  }
0x2a: {  	v0 =	vadd.f32 v1, v0;
	_ =	sdelay $0x1  }
0x2b: {  	s19 =	simm.s32 $0x40;
	[tilespmem:s15+$0x0] =	vst v0  }
0x2c: {  	s18 =	simm.s32 $0x200;
	s17 =	simm.s32 $0x10400;
	v0 =	vld [tilespmem:s19+$0x8400]  }
.LBB2_2:
0x2d: {  	p0 =	sne.s32 s18, $0x1FF00;
	v1 =	vld [tilespmem:s19+$0x400]  }
0x2e: {  	v2 =	vld [tilespmem:s19+$0x410]  }
0x2f: {  	v3 =	vld [tilespmem:s19+$0x8410]  }
0x30: {  	v4 =	vld [tilespmem:s19+$0x420]  }
0x31: {  	v5 =	vld [tilespmem:s19+$0x8420]  }
0x32: {  	v0 =	vmul.f32 v0, v1;
	v1 =	vld [tilespmem:s19+$0x430]  }
0x33: {  	v6 =	vld [tilespmem:s19+$0x8430]  }
0x34: {  	v0 =	vadd.f32 $0.0e+00, v0;
	v2 =	vmul.f32 v3, v2;
	_ =	sdelay $0x1  }
0x35: {  	v0 =	vadd.f32 v2, v0;
	v2 =	vmul.f32 v5, v4;
	_ =	sdelay $0x1  }
0x36: {  	v0 =	vadd.f32 v2, v0;
	v1 =	vmul.f32 v6, v1  }
.Ltmp0:
0x37: {  	(pc) =	sbr.rel @p0 .LBB2_2-.Ltmp0, $4  }
0x38: {  	v0 =	vadd.f32 v1, v0  }
0x39: {  	s17 =	sadd.s32 $0x10, s17  }
0x3a: {  	s19 =	sshra.s32 s18, $0x2;
	[tilespmem:s17+$0x0] =	vst v0  }
0x3b: {  	s18 =	sadd.s32 $0x100, s18;
	v0 =	vld [tilespmem:s19+$0x8400]  }
0x3c: {  	v1 =	vld [tilespmem:s19+$0x400]  }
0x3d: {  	v2 =	vld [tilespmem:s19+$0x410]  }
0x3e: {  	v3 =	vld [tilespmem:s19+$0x8410]  }
0x3f: {  	v4 =	vld [tilespmem:s19+$0x420]  }
0x40: {  	v5 =	vld [tilespmem:s19+$0x8420]  }
0x41: {  	v62 =	vld [tilespmem:s19+$0x430];
	v0 =	vmul.f32 v0, v1  }
0x42: {  	v6 =	vld [tilespmem:s19+$0x8430]  }
0x43: {  	v2 =	vmul.f32 v3, v2;
	v0 =	vadd.f32 $0.0e+00, v0;
	_ =	sdelay $0x1  }
0x44: {  	v63 =	vmul.f32 v5, v4;
	v0 =	vadd.f32 v2, v0;
	_ =	sdelay $0x1  }
0x45: {  	v1 =	vmul.f32 v6, v62;
	v0 =	vadd.f32 v63, v0;
	_ =	sdelay $0x1  }
0x46: {  	s16 =	sadd.s32 $0x1, s16;
	v0 =	vadd.f32 v1, v0  }
0x47: {  	s17 =	sadd.s32 $0x10, s17;
	p0 =	sne.s32 s16, s8  }
.Ltmp1:
0x48: {  	[tilespmem:s17+$0x0] =	vst v0;
	(pc) =	sbr.rel @p0 .LBB2_1-.Ltmp1, $4  }
0x49: {  	[hbm4b:s7+s2] =	stream.linear.scatter [tilespmem:s15], [sflag:$0x3], $0x2000, $0x38;
	[tilespmem:$0x12400] =	vst v63  }
0x4a: {  	_ =	swait.ge [sflag:s9], $0x2000  }
0x4b: {  	[sflag:s9] =	ssyncset.done $0x0  }
0x4c: {  	[sflag:s9] =	ssyncadd.s32 $0xFFFFE000  }
0x4d: {  	_ =	sfence.sel $0x180000  }
0x4e: {  	[bflag:$0x0] =	sbarrier.arrive $0xFFFF  }
0x4f: {  	p0 =	sne.s32 s1, $0x0;
	_ =	strace $0x90000047  }
0x50: {  	s0 =	sadd.s32 @!p0 $0x100000, s0;
	[bflag:$0x2] =	sbarrier.arrive $0xFFFF  }
0x51: {  	[sflag:s0] =	ssyncadd.tile.s32 @!p0 $0x1;
	_ =	shalt  }
.Lfunc_end2:
_tile_overlayer_lowered:
.L_overlay_start_2:
0x52: {  	(tag) =	ssettag $0x2  }
0x53: {  	s0 =	rddreg [dreg:$0x0];
	s2 =	stileid.u32  }
0x54: {  	s1 =	rddreg [dreg:$0x1];
	p0 =	sne.s32 s2, $0x0  }
0x55: {  	s3 =	rddreg [dreg:$0x2];
	[bflag:$0x3] =	sbarrier.arrive $0xFFFF;
	s2 =	simm.s32 @!p0 $0x1C03  }
0x56: {  	[timem:s3], [sflag:s2] =	dma.local @!p0 [hbm:s0], s1  }
0x57: {  	s0 =	simm.s32 @!p0 $0x3  }
0x58: {  	_ =	swait.ge @!p0 [sflag:s0], s1  }
0x59: {  	s1 =	ssub.s32 @!p0 $0x0, s1;
	[sflag:s0] =	ssyncset.done @!p0 $0x0  }
0x5a: {  	[sflag:s0] =	ssyncadd.s32 @!p0 s1  }
0x5b: {  	[bflag:$0x3] =	sbarrier.arrive $0xFFFF  }
0x5c: {  	_ =	shalt  }

</sc_bundles>
